<compile_context>
chip_gen: v7x
topology: tpu7x:2x2x1
jax: 0.10.2.dev20260603
libtpu: 0.0.44.dev20260713+nightly
codegen_flags: <defaults>
</compile_context>

<pallas_src>
import functools

import jax
import jax.numpy as jnp
from jax import lax
from jax.experimental import pallas as pl
from jax.experimental.pallas import tpu as pltpu
from jax.experimental.pallas import tpu_sc as plsc

_BS = 16384
_VOCAB = 1000000
_EMB = 16
_H1 = 128
_H2 = 128

_info = plsc.get_sparse_core_info()
_NC = _info.num_cores
_NS = _info.num_subcores
_NW = _NC * _NS
_BPW = _BS // _NW
_CH = 128
_NCHUNK = _BPW // _CH



def _sc_gather(idx, p_tbl, e1p):
    mesh = plsc.VectorSubcoreMesh(core_axis_name="c", subcore_axis_name="s")

    @functools.partial(
        pl.kernel,
        mesh=mesh,
        compiler_params=pltpu.CompilerParams(
            use_tc_tiling_on_sc=False, needs_layout_passes=False),
        out_type=(
            jax.ShapeDtypeStruct((_EMB, _BS), jnp.float32),
            jax.ShapeDtypeStruct((_BS,), jnp.float32),
        ),
        scratch_types=[
            pltpu.VMEM((_BPW,), jnp.int32),
            pltpu.VMEM((_CH,), jnp.int32),
            pltpu.VMEM((_CH,), jnp.int32),
            pltpu.VMEM((_CH, 128), jnp.float32),
            pltpu.VMEM((_CH, 16), jnp.float32),
            pltpu.VMEM((_EMB, _BPW), jnp.float32),
            pltpu.VMEM((_BPW,), jnp.float32),
            pltpu.SemaphoreType.DMA,
            pltpu.SemaphoreType.DMA,
        ],
    )
    def gather_kernel(idx_hbm, p_hbm, e1p_hbm, et_out, f1_out,
                      idx_v, rv2_v, rvf_v, rows_v, f1rows_v,
                      cols_v, f1c_v, sem_a, sem_b):
        wid = lax.axis_index("s") * _NC + lax.axis_index("c")
        base = wid * _BPW
        pltpu.sync_copy(idx_hbm.at[pl.ds(base, _BPW)], idx_v)

        def chunk_body(h, carry):
            off = h * _CH

            def rows_body(j, c):
                v16 = idx_v[pl.ds(off + j * 16, 16)]
                rv2_v[pl.ds(j * 16, 16)] = lax.shift_right_logical(v16, 3)
                rvf_v[pl.ds(j * 16, 16)] = lax.shift_right_logical(v16, 4)
                return c

            lax.fori_loop(0, _CH // 16, rows_body, 0)

            cp_a = pltpu.async_copy(p_hbm.at[rv2_v], rows_v, sem_a)
            cp_b = pltpu.async_copy(e1p_hbm.at[rvf_v], f1rows_v, sem_b)
            cp_a.wait()
            cp_b.wait()

            def sel_body(g, c):
                i0 = g * 16
                v16 = idx_v[pl.ds(off + i0, 16)]
                row = i0 + lax.iota(jnp.int32, 16)
                lane0 = (v16 & 7) * 16
                for j in range(_EMB):
                    vec = plsc.load_gather(rows_v, [row, lane0 + j])
                    cols_v[j, pl.ds(off + i0, 16)] = vec
                f1vec = plsc.load_gather(f1rows_v, [row, v16 & 15])
                f1c_v[pl.ds(off + i0, 16)] = f1vec
                return c

            lax.fori_loop(0, _CH // 16, sel_body, 0)
            return carry

        lax.fori_loop(0, _NCHUNK, chunk_body, 0)

        pltpu.sync_copy(cols_v, et_out.at[:, pl.ds(base, _BPW)])
        pltpu.sync_copy(f1c_v, f1_out.at[pl.ds(base, _BPW)])

    return gather_kernel(idx, p_tbl, e1p)


def _tc_body(et_ref, f1_ref, w1t_ref, c1_ref, w2t_ref, c2_ref, wdt_ref,
             cd_ref, o_ref):
    et = et_ref[...]
    fm2 = jnp.sum(et * et, axis=0, keepdims=True)
    h1 = jnp.maximum(
        jnp.dot(w1t_ref[...], et, preferred_element_type=jnp.float32)
        + c1_ref[...], 0.0)
    h2 = jnp.maximum(
        jnp.dot(w2t_ref[...], h1, preferred_element_type=jnp.float32)
        + c2_ref[...], 0.0)
    d = jnp.dot(wdt_ref[...], h2, preferred_element_type=jnp.float32)
    z = f1_ref[...] + fm2 + d + cd_ref[...]
    o_ref[...] = 1.0 / (1.0 + jnp.exp(-z))


def _tc_forward(et, f1, w1t, c1, w2t, c2, wdt, cd):
    blk = 2048
    grid = (_BS // blk,)
    return pl.pallas_call(
        _tc_body,
        grid=grid,
        in_specs=[
            pl.BlockSpec((_EMB, blk), lambda i: (0, i)),
            pl.BlockSpec((1, blk), lambda i: (0, i)),
            pl.BlockSpec((_H1, _EMB), lambda i: (0, 0)),
            pl.BlockSpec((_H1, 1), lambda i: (0, 0)),
            pl.BlockSpec((_H2, _H1), lambda i: (0, 0)),
            pl.BlockSpec((_H2, 1), lambda i: (0, 0)),
            pl.BlockSpec((1, _H2), lambda i: (0, 0)),
            pl.BlockSpec((1, 1), lambda i: (0, 0)),
        ],
        out_specs=pl.BlockSpec((1, blk), lambda i: (0, i)),
        out_shape=jax.ShapeDtypeStruct((1, _BS), jnp.float32),
    )(et, f1, w1t, c1, w2t, c2, wdt, cd)


def kernel(X_sparse, emb1, emb2, W1, b1, g1, be1, rm1, rv1,
           W2, b2, g2, be2, rm2, rv2, Wd, bd):
    idx = X_sparse.reshape(-1).astype(jnp.int32)
    p_tbl = emb2.reshape(_VOCAB // 8, 128)
    e1p = emb1.reshape(_VOCAB // 16, 16)
    s1 = g1 / jnp.sqrt(rv1 + 1e-5)
    w1t = (W1 * s1[None, :]).T
    c1 = ((b1 - rm1) * s1 + be1)[:, None]
    s2 = g2 / jnp.sqrt(rv2 + 1e-5)
    w2t = (W2 * s2[None, :]).T
    c2 = ((b2 - rm2) * s2 + be2)[:, None]
    wdt = Wd.T
    cd = bd[None, :]

    et, f1 = _sc_gather(idx, p_tbl, e1p)
    out = _tc_forward(et, f1.reshape(1, _BS), w1t, c1, w2t, c2, wdt, cd)
    return out.reshape(_BS, 1)

# --- scband reference (transcript-rebuilt; emitter-appended) ---
"""Pipeline reference for scband-deep-fm-45767171506317 (READ-ONLY COPY).

The authoritative reference and input builder live on the scoring server;
editing this copy changes nothing except your own understanding.
"""

import jax, jax.numpy as jnp
import numpy as np

BS = 16384
VOCAB = 1000000
EMB = 16
H1 = 128
H2 = 128
NC = 1


def setup_inputs(seed: int = 0) -> dict:
    key = jax.random.key(seed)
    ks = jax.random.split(key, 8)
    X_sparse = jax.random.randint(ks[0], (BS, 1), 0, VOCAB, dtype=jnp.int64 if jax.config.jax_enable_x64 else jnp.int32)
    emb1 = jax.random.normal(ks[1], (VOCAB, 1), dtype=jnp.float32) * 0.02
    emb2 = jax.random.normal(ks[2], (VOCAB, EMB), dtype=jnp.float32) * 0.02
    W1 = jax.random.normal(ks[3], (EMB, H1), dtype=jnp.float32) * (1.0 / np.sqrt(EMB))
    b1 = jnp.zeros((H1,), dtype=jnp.float32)
    g1 = jnp.ones((H1,), dtype=jnp.float32)
    be1 = jnp.zeros((H1,), dtype=jnp.float32)
    rm1 = jnp.zeros((H1,), dtype=jnp.float32)
    rv1 = jnp.ones((H1,), dtype=jnp.float32)
    W2 = jax.random.normal(ks[4], (H1, H2), dtype=jnp.float32) * (1.0 / np.sqrt(H1))
    b2 = jnp.zeros((H2,), dtype=jnp.float32)
    g2 = jnp.ones((H2,), dtype=jnp.float32)
    be2 = jnp.zeros((H2,), dtype=jnp.float32)
    rm2 = jnp.zeros((H2,), dtype=jnp.float32)
    rv2 = jnp.ones((H2,), dtype=jnp.float32)
    Wd = jax.random.normal(ks[5], (H2, NC), dtype=jnp.float32) * (1.0 / np.sqrt(H2))
    bd = jnp.zeros((NC,), dtype=jnp.float32)
    return {"X_sparse": X_sparse, "emb1": emb1, "emb2": emb2,
            "W1": W1, "b1": b1, "g1": g1, "be1": be1, "rm1": rm1, "rv1": rv1,
            "W2": W2, "b2": b2, "g2": g2, "be2": be2, "rm2": rm2, "rv2": rv2,
            "Wd": Wd, "bd": bd}


def _bn(x, g, b, rm, rv):
    # BatchNorm1d in eval mode with running stats
    return (x - rm) / jnp.sqrt(rv + 1e-5) * g + b


def reference(X_sparse, emb1, emb2, W1, b1, g1, be1, rm1, rv1, W2, b2, g2, be2, rm2, rv2, Wd, bd):
    # X_sparse.view(-1, 1) -- with a single categorical field this is [bs, 1]
    X = X_sparse.reshape(-1, 1)
    idx = X[:, 0]
    # FM first order: emb(idx.unsqueeze(1)) -> [bs,1,1] -> view(-1,1) -> [bs,1]
    fm_1st_sparse = jnp.take(emb1, idx, axis=0).reshape(-1, 1)
    fm_1st_part = jnp.sum(fm_1st_sparse, axis=1, keepdims=True)
    # FM second order: [bs, 1, emb]
    fm_2nd_concat = jnp.take(emb2, idx, axis=0)[:, None, :]
    sum_embed = jnp.sum(fm_2nd_concat, axis=1)
    square_sum_embed = sum_embed * sum_embed
    fm_2nd_part = jnp.sum(square_sum_embed, axis=1, keepdims=True)
    # DNN part (dropout is identity in eval mode)
    dnn = fm_2nd_concat.reshape(fm_2nd_concat.shape[0], -1)
    dnn = jnp.maximum(_bn(dnn @ W1 + b1, g1, be1, rm1, rv1), 0.0)
    dnn = jnp.maximum(_bn(dnn @ W2 + b2, g2, be2, rm2, rv2), 0.0)
    dnn = dnn @ Wd + bd
    out = jax.nn.sigmoid(fm_1st_part + fm_2nd_part + dnn)
    return out

if __name__ == "__main__":
    import jax
    _d = setup_inputs()
    print(jax.jit(kernel)(*tuple(_d.values())))

</pallas_src>

<mosaic_0001>
#map = affine_map<(d0, d1) -> (0)>
#map1 = affine_map<(d0, d1) -> (0, 0)>
module attributes {stable_mosaic.version = 14 : i64} {
  func.func @gather_kernel(%arg0: i32, %arg1: i32, %arg2: memref<16384xi32, #tpu.memory_space<hbm>>, %arg3: memref<125000x128xf32, #tpu.memory_space<hbm>>, %arg4: memref<62500x16xf32, #tpu.memory_space<hbm>>, %arg5: memref<16x16384xf32, #tpu.memory_space<hbm>>, %arg6: memref<16384xf32, #tpu.memory_space<hbm>>, %arg7: memref<512xi32, #tpu.memory_space<vmem>>, %arg8: memref<128xi32, #tpu.memory_space<vmem>>, %arg9: memref<128xi32, #tpu.memory_space<vmem>>, %arg10: memref<128x128xf32, #tpu.memory_space<vmem>>, %arg11: memref<128x16xf32, #tpu.memory_space<vmem>>, %arg12: memref<16x512xf32, #tpu.memory_space<vmem>>, %arg13: memref<512xf32, #tpu.memory_space<vmem>>, %arg14: memref<!tpu.dma_semaphore, #tpu.memory_space<semaphore_mem>>, %arg15: memref<!tpu.dma_semaphore, #tpu.memory_space<semaphore_mem>>) attributes {dimension_semantics = [#tpu.dimension_semantics<core_parallel>, #tpu.dimension_semantics<subcore_parallel>], iteration_bounds = array<i64: 2, 16>, scalar_prefetch = 0 : i64, scratch_operands = 9 : i64, tpu.core_type = #tpu.core_type<sc_vector_subcore>, window_params = [{transform_indices = #map}, {transform_indices = #map1}, {transform_indices = #map1}, {transform_indices = #map1}, {transform_indices = #map}]} {
    %mul3A = arith.constant 2 : i32
    %mul3A_0 = arith.muli %arg1, %mul3A : i32
    %add3A = arith.addi %mul3A_0, %arg0 : i32
    %mul3A_1 = arith.constant 512 : i32
    %mul3A_2 = arith.muli %add3A, %mul3A_1 : i32
    "tpu.region"() ({
      %run_scoped3A = tpu.sem_alloc : memref<!tpu.dma_semaphore, #tpu.memory_space<semaphore_mem>>
      %dma_start3A = tpu.memref_slice %arg2[%mul3A_2] : memref<16384xi32, #tpu.memory_space<hbm>> -> memref<512xi32, #tpu.memory_space<hbm>>
      %dma_start3A_8 = tpu.memref_slice %arg2[%mul3A_2] : memref<16384xi32, #tpu.memory_space<hbm>> -> memref<512xi32, #tpu.memory_space<hbm>>
      tpu.enqueue_dma source(%dma_start3A_8 : memref<512xi32, #tpu.memory_space<hbm>>) target(%arg7 : memref<512xi32, #tpu.memory_space<vmem>>) target_semaphore(%run_scoped3A : memref<!tpu.dma_semaphore, #tpu.memory_space<semaphore_mem>>)
      %dma_wait3A = tpu.memref_slice %arg2[%mul3A_2] : memref<16384xi32, #tpu.memory_space<hbm>> -> memref<512xi32, #tpu.memory_space<hbm>>
      %dma_wait3A_9 = tpu.memref_slice %arg2[%mul3A_2] : memref<16384xi32, #tpu.memory_space<hbm>> -> memref<512xi32, #tpu.memory_space<hbm>>
      tpu.wait_dma2 semaphore(%run_scoped3A : memref<!tpu.dma_semaphore, #tpu.memory_space<semaphore_mem>>) src(%dma_wait3A_9 : memref<512xi32, #tpu.memory_space<hbm>>) dst(%arg7 : memref<512xi32, #tpu.memory_space<vmem>>)
      tpu.yield
    }) : () -> ()
    %scan3A = arith.constant 0 : i32
    %scan3A_3 = arith.constant 0 : i32
    %scan3A_4 = arith.constant 4 : i32
    %scan3A_5 = arith.addi %scan3A_3, %scan3A_4 : i32
    %scan3A_6 = arith.constant 1 : i32
    scf.for %scan3A_8 = %scan3A_3 to %scan3A_5 step %scan3A_6  : i32 {
      %mul3A_9 = arith.constant 128 : i32
      %mul3A_10 = arith.muli %scan3A_8, %mul3A_9 : i32
      %scan3A_11 = arith.constant 0 : i32
      %scan3A_12 = arith.constant 0 : i32
      %scan3A_13 = arith.constant 8 : i32
      %scan3A_14 = arith.addi %scan3A_12, %scan3A_13 : i32
      %scan3A_15 = arith.constant 1 : i32
      scf.for %scan3A_33 = %scan3A_12 to %scan3A_14 step %scan3A_15  : i32 {
        %mul3A_34 = arith.constant 16 : i32
        %mul3A_35 = arith.muli %scan3A_33, %mul3A_34 : i32
        %add3A_36 = arith.addi %mul3A_10, %mul3A_35 : i32
        %get3A = arith.index_cast %add3A_36 : i32 to index
        %get3A_37 = tpu.vector_load %arg7[%get3A] {strides = array<i32>} : memref<512xi32, #tpu.memory_space<vmem>>, vector<16xi32>,
        %shift_right_logical3A = arith.constant 3 : i32
        %shift_right_logical3A_38 = vector.broadcast %shift_right_logical3A : i32 to vector<16xi32>
        %shift_right_logical3A_39 = arith.shrui %get3A_37, %shift_right_logical3A_38 : vector<16xi32>
        %mul3A_40 = arith.constant 16 : i32
        %mul3A_41 = arith.muli %scan3A_33, %mul3A_40 : i32
        %swap3A = arith.index_cast %mul3A_41 : i32 to index
        %swap3A_42 = tpu.vector_load %arg8[%swap3A] {strides = array<i32>} : memref<128xi32, #tpu.memory_space<vmem>>, vector<16xi32>,
        tpu.vector_store %arg8[%swap3A], %shift_right_logical3A_39 {strides = array<i32>} : memref<128xi32, #tpu.memory_space<vmem>>, vector<16xi32>,
        %shift_right_logical3A_43 = arith.constant 4 : i32
        %shift_right_logical3A_44 = vector.broadcast %shift_right_logical3A_43 : i32 to vector<16xi32>
        %shift_right_logical3A_45 = arith.shrui %get3A_37, %shift_right_logical3A_44 : vector<16xi32>
        %mul3A_46 = arith.constant 16 : i32
        %mul3A_47 = arith.muli %scan3A_33, %mul3A_46 : i32
        %swap3A_48 = arith.index_cast %mul3A_47 : i32 to index
        %swap3A_49 = tpu.vector_load %arg9[%swap3A_48] {strides = array<i32>} : memref<128xi32, #tpu.memory_space<vmem>>, vector<16xi32>,
        tpu.vector_store %arg9[%swap3A_48], %shift_right_logical3A_45 {strides = array<i32>} : memref<128xi32, #tpu.memory_space<vmem>>, vector<16xi32>,
      }
      %scan3A_16 = arith.constant 8 : i32
      %dma_start3A = arith.constant 0 : i32
      %dma_start3A_17 = arith.constant 0 : i32
      %dma_start3A_18 = tpu.memref_slice %arg3[%dma_start3A, %dma_start3A_17] : memref<125000x128xf32, #tpu.memory_space<hbm>> -> memref<125000x128xf32, #tpu.memory_space<hbm>>
      tpu.enqueue_indirect_dma source(%dma_start3A_18 : memref<125000x128xf32, #tpu.memory_space<hbm>>) target(%arg10 : memref<128x128xf32, #tpu.memory_space<vmem>>) offsets(%arg8 : memref<128xi32, #tpu.memory_space<vmem>>) semaphore(%arg14 : memref<!tpu.dma_semaphore, #tpu.memory_space<semaphore_mem>>)
      %dma_start3A_19 = arith.constant 0 : i32
      %dma_start3A_20 = arith.constant 0 : i32
      %dma_start3A_21 = tpu.memref_slice %arg4[%dma_start3A_19, %dma_start3A_20] : memref<62500x16xf32, #tpu.memory_space<hbm>> -> memref<62500x16xf32, #tpu.memory_space<hbm>>
      tpu.enqueue_indirect_dma source(%dma_start3A_21 : memref<62500x16xf32, #tpu.memory_space<hbm>>) target(%arg11 : memref<128x16xf32, #tpu.memory_space<vmem>>) offsets(%arg9 : memref<128xi32, #tpu.memory_space<vmem>>) semaphore(%arg15 : memref<!tpu.dma_semaphore, #tpu.memory_space<semaphore_mem>>)
      %dma_wait3A = arith.constant 0 : i32
      %dma_wait3A_22 = arith.constant 0 : i32
      %dma_wait3A_23 = tpu.memref_slice %arg3[%dma_wait3A, %dma_wait3A_22] : memref<125000x128xf32, #tpu.memory_space<hbm>> -> memref<125000x128xf32, #tpu.memory_space<hbm>>
      tpu.wait_indirect_dma semaphore(%arg14 : memref<!tpu.dma_semaphore, #tpu.memory_space<semaphore_mem>>) src(%dma_wait3A_23 : memref<125000x128xf32, #tpu.memory_space<hbm>>) dst(%arg10 : memref<128x128xf32, #tpu.memory_space<vmem>>)
      %dma_wait3A_24 = arith.constant 0 : i32
      %dma_wait3A_25 = arith.constant 0 : i32
      %dma_wait3A_26 = tpu.memref_slice %arg4[%dma_wait3A_24, %dma_wait3A_25] : memref<62500x16xf32, #tpu.memory_space<hbm>> -> memref<62500x16xf32, #tpu.memory_space<hbm>>
      tpu.wait_indirect_dma semaphore(%arg15 : memref<!tpu.dma_semaphore, #tpu.memory_space<semaphore_mem>>) src(%dma_wait3A_26 : memref<62500x16xf32, #tpu.memory_space<hbm>>) dst(%arg11 : memref<128x16xf32, #tpu.memory_space<vmem>>)
      %scan3A_27 = arith.constant 0 : i32
      %scan3A_28 = arith.constant 0 : i32
      %scan3A_29 = arith.constant 8 : i32
      %scan3A_30 = arith.addi %scan3A_28, %scan3A_29 : i32
      %scan3A_31 = arith.constant 1 : i32
      scf.for %scan3A_33 = %scan3A_28 to %scan3A_30 step %scan3A_31  : i32 {
        %mul3A_34 = arith.constant 16 : i32
        %mul3A_35 = arith.muli %scan3A_33, %mul3A_34 : i32
        %add3A_36 = arith.addi %mul3A_10, %mul3A_35 : i32
        %get3A = arith.index_cast %add3A_36 : i32 to index
        %get3A_37 = tpu.vector_load %arg7[%get3A] {strides = array<i32>} : memref<512xi32, #tpu.memory_space<vmem>>, vector<16xi32>,
        %iota3A = tpu.iota {dimensions = array<i32: 0>} : vector<16xi32>
        %add3A_38 = vector.broadcast %mul3A_35 : i32 to vector<16xi32>
        %add3A_39 = arith.addi %add3A_38, %iota3A : vector<16xi32>
        %and3A = arith.constant 7 : i32
        %and3A_40 = vector.broadcast %and3A : i32 to vector<16xi32>
        %and3A_41 = arith.andi %get3A_37, %and3A_40 : vector<16xi32>
        %mul3A_42 = arith.constant 16 : i32
        %mul3A_43 = vector.broadcast %mul3A_42 : i32 to vector<16xi32>
        %mul3A_44 = arith.muli %and3A_41, %mul3A_43 : vector<16xi32>
        %add3A_45 = arith.constant 0 : i32
        %add3A_46 = vector.broadcast %add3A_45 : i32 to vector<16xi32>
        %add3A_47 = arith.addi %mul3A_44, %add3A_46 : vector<16xi32>
        %gather3A = tpu.vector_load_idx %arg10[%add3A_39, %add3A_47] : memref<128x128xf32, #tpu.memory_space<vmem>>[vector<16xi32>, vector<16xi32>], vector<16xf32>,
        %add3A_48 = arith.addi %mul3A_10, %mul3A_35 : i32
        %swap3A = arith.constant 0 : i32
        %swap3A_49 = arith.index_cast %swap3A : i32 to index
        %swap3A_50 = arith.index_cast %add3A_48 : i32 to index
        %swap3A_51 = tpu.vector_load %arg12[%swap3A_49, %swap3A_50] {strides = array<i32>} : memref<16x512xf32, #tpu.memory_space<vmem>>, vector<16xf32>,
        tpu.vector_store %arg12[%swap3A_49, %swap3A_50], %gather3A {strides = array<i32>} : memref<16x512xf32, #tpu.memory_space<vmem>>, vector<16xf32>,
        %add3A_52 = arith.constant 1 : i32
        %add3A_53 = vector.broadcast %add3A_52 : i32 to vector<16xi32>
        %add3A_54 = arith.addi %mul3A_44, %add3A_53 : vector<16xi32>
        %gather3A_55 = tpu.vector_load_idx %arg10[%add3A_39, %add3A_54] : memref<128x128xf32, #tpu.memory_space<vmem>>[vector<16xi32>, vector<16xi32>], vector<16xf32>,
        %add3A_56 = arith.addi %mul3A_10, %mul3A_35 : i32
        %swap3A_57 = arith.constant 1 : i32
        %swap3A_58 = arith.index_cast %swap3A_57 : i32 to index
        %swap3A_59 = arith.index_cast %add3A_56 : i32 to index
        %swap3A_60 = tpu.vector_load %arg12[%swap3A_58, %swap3A_59] {strides = array<i32>} : memref<16x512xf32, #tpu.memory_space<vmem>>, vector<16xf32>,
        tpu.vector_store %arg12[%swap3A_58, %swap3A_59], %gather3A_55 {strides = array<i32>} : memref<16x512xf32, #tpu.memory_space<vmem>>, vector<16xf32>,
        %add3A_61 = arith.constant 2 : i32
        %add3A_62 = vector.broadcast %add3A_61 : i32 to vector<16xi32>
        %add3A_63 = arith.addi %mul3A_44, %add3A_62 : vector<16xi32>
        %gather3A_64 = tpu.vector_load_idx %arg10[%add3A_39, %add3A_63] : memref<128x128xf32, #tpu.memory_space<vmem>>[vector<16xi32>, vector<16xi32>], vector<16xf32>,
        %add3A_65 = arith.addi %mul3A_10, %mul3A_35 : i32
        %swap3A_66 = arith.constant 2 : i32
        %swap3A_67 = arith.index_cast %swap3A_66 : i32 to index
        %swap3A_68 = arith.index_cast %add3A_65 : i32 to index
        %swap3A_69 = tpu.vector_load %arg12[%swap3A_67, %swap3A_68] {strides = array<i32>} : memref<16x512xf32, #tpu.memory_space<vmem>>, vector<16xf32>,
        tpu.vector_store %arg12[%swap3A_67, %swap3A_68], %gather3A_64 {strides = array<i32>} : memref<16x512xf32, #tpu.memory_space<vmem>>, vector<16xf32>,
        %add3A_70 = arith.constant 3 : i32
        %add3A_71 = vector.broadcast %add3A_70 : i32 to vector<16xi32>
        %add3A_72 = arith.addi %mul3A_44, %add3A_71 : vector<16xi32>
        %gather3A_73 = tpu.vector_load_idx %arg10[%add3A_39, %add3A_72] : memref<128x128xf32, #tpu.memory_space<vmem>>[vector<16xi32>, vector<16xi32>], vector<16xf32>,
        %add3A_74 = arith.addi %mul3A_10, %mul3A_35 : i32
        %swap3A_75 = arith.constant 3 : i32
        %swap3A_76 = arith.index_cast %swap3A_75 : i32 to index
        %swap3A_77 = arith.index_cast %add3A_74 : i32 to index
        %swap3A_78 = tpu.vector_load %arg12[%swap3A_76, %swap3A_77] {strides = array<i32>} : memref<16x512xf32, #tpu.memory_space<vmem>>, vector<16xf32>,
        tpu.vector_store %arg12[%swap3A_76, %swap3A_77], %gather3A_73 {strides = array<i32>} : memref<16x512xf32, #tpu.memory_space<vmem>>, vector<16xf32>,
        %add3A_79 = arith.constant 4 : i32
        %add3A_80 = vector.broadcast %add3A_79 : i32 to vector<16xi32>
        %add3A_81 = arith.addi %mul3A_44, %add3A_80 : vector<16xi32>
        %gather3A_82 = tpu.vector_load_idx %arg10[%add3A_39, %add3A_81] : memref<128x128xf32, #tpu.memory_space<vmem>>[vector<16xi32>, vector<16xi32>], vector<16xf32>,
        %add3A_83 = arith.addi %mul3A_10, %mul3A_35 : i32
        %swap3A_84 = arith.constant 4 : i32
        %swap3A_85 = arith.index_cast %swap3A_84 : i32 to index
        %swap3A_86 = arith.index_cast %add3A_83 : i32 to index
        %swap3A_87 = tpu.vector_load %arg12[%swap3A_85, %swap3A_86] {strides = array<i32>} : memref<16x512xf32, #tpu.memory_space<vmem>>, vector<16xf32>,
        tpu.vector_store %arg12[%swap3A_85, %swap3A_86], %gather3A_82 {strides = array<i32>} : memref<16x512xf32, #tpu.memory_space<vmem>>, vector<16xf32>,
        %add3A_88 = arith.constant 5 : i32
        %add3A_89 = vector.broadcast %add3A_88 : i32 to vector<16xi32>
        %add3A_90 = arith.addi %mul3A_44, %add3A_89 : vector<16xi32>
        %gather3A_91 = tpu.vector_load_idx %arg10[%add3A_39, %add3A_90] : memref<128x128xf32, #tpu.memory_space<vmem>>[vector<16xi32>, vector<16xi32>], vector<16xf32>,
        %add3A_92 = arith.addi %mul3A_10, %mul3A_35 : i32
        %swap3A_93 = arith.constant 5 : i32
        %swap3A_94 = arith.index_cast %swap3A_93 : i32 to index
        %swap3A_95 = arith.index_cast %add3A_92 : i32 to index
        %swap3A_96 = tpu.vector_load %arg12[%swap3A_94, %swap3A_95] {strides = array<i32>} : memref<16x512xf32, #tpu.memory_space<vmem>>, vector<16xf32>,
        tpu.vector_store %arg12[%swap3A_94, %swap3A_95], %gather3A_91 {strides = array<i32>} : memref<16x512xf32, #tpu.memory_space<vmem>>, vector<16xf32>,
        %add3A_97 = arith.constant 6 : i32
        %add3A_98 = vector.broadcast %add3A_97 : i32 to vector<16xi32>
        %add3A_99 = arith.addi %mul3A_44, %add3A_98 : vector<16xi32>
        %gather3A_100 = tpu.vector_load_idx %arg10[%add3A_39, %add3A_99] : memref<128x128xf32, #tpu.memory_space<vmem>>[vector<16xi32>, vector<16xi32>], vector<16xf32>,
        %add3A_101 = arith.addi %mul3A_10, %mul3A_35 : i32
        %swap3A_102 = arith.constant 6 : i32
        %swap3A_103 = arith.index_cast %swap3A_102 : i32 to index
        %swap3A_104 = arith.index_cast %add3A_101 : i32 to index
        %swap3A_105 = tpu.vector_load %arg12[%swap3A_103, %swap3A_104] {strides = array<i32>} : memref<16x512xf32, #tpu.memory_space<vmem>>, vector<16xf32>,
        tpu.vector_store %arg12[%swap3A_103, %swap3A_104], %gather3A_100 {strides = array<i32>} : memref<16x512xf32, #tpu.memory_space<vmem>>, vector<16xf32>,
        %add3A_106 = arith.constant 7 : i32
        %add3A_107 = vector.broadcast %add3A_106 : i32 to vector<16xi32>
        %add3A_108 = arith.addi %mul3A_44, %add3A_107 : vector<16xi32>
        %gather3A_109 = tpu.vector_load_idx %arg10[%add3A_39, %add3A_108] : memref<128x128xf32, #tpu.memory_space<vmem>>[vector<16xi32>, vector<16xi32>], vector<16xf32>,
        %add3A_110 = arith.addi %mul3A_10, %mul3A_35 : i32
        %swap3A_111 = arith.constant 7 : i32
        %swap3A_112 = arith.index_cast %swap3A_111 : i32 to index
        %swap3A_113 = arith.index_cast %add3A_110 : i32 to index
        %swap3A_114 = tpu.vector_load %arg12[%swap3A_112, %swap3A_113] {strides = array<i32>} : memref<16x512xf32, #tpu.memory_space<vmem>>, vector<16xf32>,
        tpu.vector_store %arg12[%swap3A_112, %swap3A_113], %gather3A_109 {strides = array<i32>} : memref<16x512xf32, #tpu.memory_space<vmem>>, vector<16xf32>,
        %add3A_115 = arith.constant 8 : i32
        %add3A_116 = vector.broadcast %add3A_115 : i32 to vector<16xi32>
        %add3A_117 = arith.addi %mul3A_44, %add3A_116 : vector<16xi32>
        %gather3A_118 = tpu.vector_load_idx %arg10[%add3A_39, %add3A_117] : memref<128x128xf32, #tpu.memory_space<vmem>>[vector<16xi32>, vector<16xi32>], vector<16xf32>,
        %add3A_119 = arith.addi %mul3A_10, %mul3A_35 : i32
        %swap3A_120 = arith.constant 8 : i32
        %swap3A_121 = arith.index_cast %swap3A_120 : i32 to index
        %swap3A_122 = arith.index_cast %add3A_119 : i32 to index
        %swap3A_123 = tpu.vector_load %arg12[%swap3A_121, %swap3A_122] {strides = array<i32>} : memref<16x512xf32, #tpu.memory_space<vmem>>, vector<16xf32>,
        tpu.vector_store %arg12[%swap3A_121, %swap3A_122], %gather3A_118 {strides = array<i32>} : memref<16x512xf32, #tpu.memory_space<vmem>>, vector<16xf32>,
        %add3A_124 = arith.constant 9 : i32
        %add3A_125 = vector.broadcast %add3A_124 : i32 to vector<16xi32>
        %add3A_126 = arith.addi %mul3A_44, %add3A_125 : vector<16xi32>
        %gather3A_127 = tpu.vector_load_idx %arg10[%add3A_39, %add3A_126] : memref<128x128xf32, #tpu.memory_space<vmem>>[vector<16xi32>, vector<16xi32>], vector<16xf32>,
        %add3A_128 = arith.addi %mul3A_10, %mul3A_35 : i32
        %swap3A_129 = arith.constant 9 : i32
        %swap3A_130 = arith.index_cast %swap3A_129 : i32 to index
        %swap3A_131 = arith.index_cast %add3A_128 : i32 to index
        %swap3A_132 = tpu.vector_load %arg12[%swap3A_130, %swap3A_131] {strides = array<i32>} : memref<16x512xf32, #tpu.memory_space<vmem>>, vector<16xf32>,
        tpu.vector_store %arg12[%swap3A_130, %swap3A_131], %gather3A_127 {strides = array<i32>} : memref<16x512xf32, #tpu.memory_space<vmem>>, vector<16xf32>,
        %add3A_133 = arith.constant 10 : i32
        %add3A_134 = vector.broadcast %add3A_133 : i32 to vector<16xi32>
        %add3A_135 = arith.addi %mul3A_44, %add3A_134 : vector<16xi32>
        %gather3A_136 = tpu.vector_load_idx %arg10[%add3A_39, %add3A_135] : memref<128x128xf32, #tpu.memory_space<vmem>>[vector<16xi32>, vector<16xi32>], vector<16xf32>,
        %add3A_137 = arith.addi %mul3A_10, %mul3A_35 : i32
        %swap3A_138 = arith.constant 10 : i32
        %swap3A_139 = arith.index_cast %swap3A_138 : i32 to index
        %swap3A_140 = arith.index_cast %add3A_137 : i32 to index
        %swap3A_141 = tpu.vector_load %arg12[%swap3A_139, %swap3A_140] {strides = array<i32>} : memref<16x512xf32, #tpu.memory_space<vmem>>, vector<16xf32>,
        tpu.vector_store %arg12[%swap3A_139, %swap3A_140], %gather3A_136 {strides = array<i32>} : memref<16x512xf32, #tpu.memory_space<vmem>>, vector<16xf32>,
        %add3A_142 = arith.constant 11 : i32
        %add3A_143 = vector.broadcast %add3A_142 : i32 to vector<16xi32>
        %add3A_144 = arith.addi %mul3A_44, %add3A_143 : vector<16xi32>
        %gather3A_145 = tpu.vector_load_idx %arg10[%add3A_39, %add3A_144] : memref<128x128xf32, #tpu.memory_space<vmem>>[vector<16xi32>, vector<16xi32>], vector<16xf32>,
        %add3A_146 = arith.addi %mul3A_10, %mul3A_35 : i32
        %swap3A_147 = arith.constant 11 : i32
        %swap3A_148 = arith.index_cast %swap3A_147 : i32 to index
        %swap3A_149 = arith.index_cast %add3A_146 : i32 to index
        %swap3A_150 = tpu.vector_load %arg12[%swap3A_148, %swap3A_149] {strides = array<i32>} : memref<16x512xf32, #tpu.memory_space<vmem>>, vector<16xf32>,
        tpu.vector_store %arg12[%swap3A_148, %swap3A_149], %gather3A_145 {strides = array<i32>} : memref<16x512xf32, #tpu.memory_space<vmem>>, vector<16xf32>,
        %add3A_151 = arith.constant 12 : i32
        %add3A_152 = vector.broadcast %add3A_151 : i32 to vector<16xi32>
        %add3A_153 = arith.addi %mul3A_44, %add3A_152 : vector<16xi32>
        %gather3A_154 = tpu.vector_load_idx %arg10[%add3A_39, %add3A_153] : memref<128x128xf32, #tpu.memory_space<vmem>>[vector<16xi32>, vector<16xi32>], vector<16xf32>,
        %add3A_155 = arith.addi %mul3A_10, %mul3A_35 : i32
        %swap3A_156 = arith.constant 12 : i32
        %swap3A_157 = arith.index_cast %swap3A_156 : i32 to index
        %swap3A_158 = arith.index_cast %add3A_155 : i32 to index
        %swap3A_159 = tpu.vector_load %arg12[%swap3A_157, %swap3A_158] {strides = array<i32>} : memref<16x512xf32, #tpu.memory_space<vmem>>, vector<16xf32>,
        tpu.vector_store %arg12[%swap3A_157, %swap3A_158], %gather3A_154 {strides = array<i32>} : memref<16x512xf32, #tpu.memory_space<vmem>>, vector<16xf32>,
        %add3A_160 = arith.constant 13 : i32
        %add3A_161 = vector.broadcast %add3A_160 : i32 to vector<16xi32>
        %add3A_162 = arith.addi %mul3A_44, %add3A_161 : vector<16xi32>
        %gather3A_163 = tpu.vector_load_idx %arg10[%add3A_39, %add3A_162] : memref<128x128xf32, #tpu.memory_space<vmem>>[vector<16xi32>, vector<16xi32>], vector<16xf32>,
        %add3A_164 = arith.addi %mul3A_10, %mul3A_35 : i32
        %swap3A_165 = arith.constant 13 : i32
        %swap3A_166 = arith.index_cast %swap3A_165 : i32 to index
        %swap3A_167 = arith.index_cast %add3A_164 : i32 to index
        %swap3A_168 = tpu.vector_load %arg12[%swap3A_166, %swap3A_167] {strides = array<i32>} : memref<16x512xf32, #tpu.memory_space<vmem>>, vector<16xf32>,
        tpu.vector_store %arg12[%swap3A_166, %swap3A_167], %gather3A_163 {strides = array<i32>} : memref<16x512xf32, #tpu.memory_space<vmem>>, vector<16xf32>,
        %add3A_169 = arith.constant 14 : i32
        %add3A_170 = vector.broadcast %add3A_169 : i32 to vector<16xi32>
        %add3A_171 = arith.addi %mul3A_44, %add3A_170 : vector<16xi32>
        %gather3A_172 = tpu.vector_load_idx %arg10[%add3A_39, %add3A_171] : memref<128x128xf32, #tpu.memory_space<vmem>>[vector<16xi32>, vector<16xi32>], vector<16xf32>,
        %add3A_173 = arith.addi %mul3A_10, %mul3A_35 : i32
        %swap3A_174 = arith.constant 14 : i32
        %swap3A_175 = arith.index_cast %swap3A_174 : i32 to index
        %swap3A_176 = arith.index_cast %add3A_173 : i32 to index
        %swap3A_177 = tpu.vector_load %arg12[%swap3A_175, %swap3A_176] {strides = array<i32>} : memref<16x512xf32, #tpu.memory_space<vmem>>, vector<16xf32>,
        tpu.vector_store %arg12[%swap3A_175, %swap3A_176], %gather3A_172 {strides = array<i32>} : memref<16x512xf32, #tpu.memory_space<vmem>>, vector<16xf32>,
        %add3A_178 = arith.constant 15 : i32
        %add3A_179 = vector.broadcast %add3A_178 : i32 to vector<16xi32>
        %add3A_180 = arith.addi %mul3A_44, %add3A_179 : vector<16xi32>
        %gather3A_181 = tpu.vector_load_idx %arg10[%add3A_39, %add3A_180] : memref<128x128xf32, #tpu.memory_space<vmem>>[vector<16xi32>, vector<16xi32>], vector<16xf32>,
        %add3A_182 = arith.addi %mul3A_10, %mul3A_35 : i32
        %swap3A_183 = arith.constant 15 : i32
        %swap3A_184 = arith.index_cast %swap3A_183 : i32 to index
        %swap3A_185 = arith.index_cast %add3A_182 : i32 to index
        %swap3A_186 = tpu.vector_load %arg12[%swap3A_184, %swap3A_185] {strides = array<i32>} : memref<16x512xf32, #tpu.memory_space<vmem>>, vector<16xf32>,
        tpu.vector_store %arg12[%swap3A_184, %swap3A_185], %gather3A_181 {strides = array<i32>} : memref<16x512xf32, #tpu.memory_space<vmem>>, vector<16xf32>,
        %and3A_187 = arith.constant 15 : i32
        %and3A_188 = vector.broadcast %and3A_187 : i32 to vector<16xi32>
        %and3A_189 = arith.andi %get3A_37, %and3A_188 : vector<16xi32>
        %gather3A_190 = tpu.vector_load_idx %arg11[%add3A_39, %and3A_189] : memref<128x16xf32, #tpu.memory_space<vmem>>[vector<16xi32>, vector<16xi32>], vector<16xf32>,
        %add3A_191 = arith.addi %mul3A_10, %mul3A_35 : i32
        %swap3A_192 = arith.index_cast %add3A_191 : i32 to index
        %swap3A_193 = tpu.vector_load %arg13[%swap3A_192] {strides = array<i32>} : memref<512xf32, #tpu.memory_space<vmem>>, vector<16xf32>,
        tpu.vector_store %arg13[%swap3A_192], %gather3A_190 {strides = array<i32>} : memref<512xf32, #tpu.memory_space<vmem>>, vector<16xf32>,
      }
      %scan3A_32 = arith.constant 8 : i32
    }
    %scan3A_7 = arith.constant 4 : i32
    "tpu.region"() ({
      %run_scoped3A = tpu.sem_alloc : memref<!tpu.dma_semaphore, #tpu.memory_space<semaphore_mem>>
      %dma_start3A = arith.constant 0 : i32
      %dma_start3A_8 = tpu.memref_slice %arg5[%dma_start3A, %mul3A_2] : memref<16x16384xf32, #tpu.memory_space<hbm>> -> memref<16x512xf32, #tpu.memory_space<hbm>>
      %dma_start3A_9 = arith.constant 0 : i32
      %dma_start3A_10 = tpu.memref_slice %arg5[%dma_start3A_9, %mul3A_2] : memref<16x16384xf32, #tpu.memory_space<hbm>> -> memref<16x512xf32, #tpu.memory_space<hbm>>
      tpu.enqueue_dma source(%arg12 : memref<16x512xf32, #tpu.memory_space<vmem>>) target(%dma_start3A_10 : memref<16x512xf32, #tpu.memory_space<hbm>>) target_semaphore(%run_scoped3A : memref<!tpu.dma_semaphore, #tpu.memory_space<semaphore_mem>>)
      %dma_wait3A = arith.constant 0 : i32
      %dma_wait3A_11 = tpu.memref_slice %arg5[%dma_wait3A, %mul3A_2] : memref<16x16384xf32, #tpu.memory_space<hbm>> -> memref<16x512xf32, #tpu.memory_space<hbm>>
      %dma_wait3A_12 = arith.constant 0 : i32
      %dma_wait3A_13 = tpu.memref_slice %arg5[%dma_wait3A_12, %mul3A_2] : memref<16x16384xf32, #tpu.memory_space<hbm>> -> memref<16x512xf32, #tpu.memory_space<hbm>>
      tpu.wait_dma2 semaphore(%run_scoped3A : memref<!tpu.dma_semaphore, #tpu.memory_space<semaphore_mem>>) src(%arg12 : memref<16x512xf32, #tpu.memory_space<vmem>>) dst(%dma_wait3A_13 : memref<16x512xf32, #tpu.memory_space<hbm>>)
      tpu.yield
    }) : () -> ()
    "tpu.region"() ({
      %run_scoped3A = tpu.sem_alloc : memref<!tpu.dma_semaphore, #tpu.memory_space<semaphore_mem>>
      %dma_start3A = tpu.memref_slice %arg6[%mul3A_2] : memref<16384xf32, #tpu.memory_space<hbm>> -> memref<512xf32, #tpu.memory_space<hbm>>
      %dma_start3A_8 = tpu.memref_slice %arg6[%mul3A_2] : memref<16384xf32, #tpu.memory_space<hbm>> -> memref<512xf32, #tpu.memory_space<hbm>>
      tpu.enqueue_dma source(%arg13 : memref<512xf32, #tpu.memory_space<vmem>>) target(%dma_start3A_8 : memref<512xf32, #tpu.memory_space<hbm>>) target_semaphore(%run_scoped3A : memref<!tpu.dma_semaphore, #tpu.memory_space<semaphore_mem>>)
      %dma_wait3A = tpu.memref_slice %arg6[%mul3A_2] : memref<16384xf32, #tpu.memory_space<hbm>> -> memref<512xf32, #tpu.memory_space<hbm>>
      %dma_wait3A_9 = tpu.memref_slice %arg6[%mul3A_2] : memref<16384xf32, #tpu.memory_space<hbm>> -> memref<512xf32, #tpu.memory_space<hbm>>
      tpu.wait_dma2 semaphore(%run_scoped3A : memref<!tpu.dma_semaphore, #tpu.memory_space<semaphore_mem>>) src(%arg13 : memref<512xf32, #tpu.memory_space<vmem>>) dst(%dma_wait3A_9 : memref<512xf32, #tpu.memory_space<hbm>>)
      tpu.yield
    }) : () -> ()
    return
  }
}

module attributes {stable_mosaic.version = 14 : i64} {
  func.func @_tc_body(%arg0: i32, %arg1: memref<16x2048xf32, #tpu.memory_space<vmem>>, %arg2: memref<1x2048xf32, #tpu.memory_space<vmem>>, %arg3: memref<128x16xf32, #tpu.memory_space<vmem>>, %arg4: memref<128x1xf32, #tpu.memory_space<vmem>>, %arg5: memref<128x128xf32, #tpu.memory_space<vmem>>, %arg6: memref<128x1xf32, #tpu.memory_space<vmem>>, %arg7: memref<1x128xf32, #tpu.memory_space<vmem>>, %arg8: memref<1x1xf32, #tpu.memory_space<vmem>>, %arg9: memref<1x2048xf32, #tpu.memory_space<vmem>>) attributes {dimension_semantics = [#tpu.dimension_semantics<arbitrary>], iteration_bounds = array<i64: 8>, scalar_prefetch = 0 : i64, scratch_operands = 0 : i64, tpu.core_type = #tpu.core_type<tc>, window_params = [{transform_indices = @transform_0, window_bounds = array<i64: 16, 2048>}, {transform_indices = @transform_1, window_bounds = array<i64: 1, 2048>}, {pipeline_mode = #tpu.pipeline_mode<synchronous>, transform_indices = @transform_2, window_bounds = array<i64: 128, 16>}, {pipeline_mode = #tpu.pipeline_mode<synchronous>, transform_indices = @transform_3, window_bounds = array<i64: 128, 1>}, {pipeline_mode = #tpu.pipeline_mode<synchronous>, transform_indices = @transform_4, window_bounds = array<i64: 128, 128>}, {pipeline_mode = #tpu.pipeline_mode<synchronous>, transform_indices = @transform_5, window_bounds = array<i64: 128, 1>}, {pipeline_mode = #tpu.pipeline_mode<synchronous>, transform_indices = @transform_6, window_bounds = array<i64: 1, 128>}, {pipeline_mode = #tpu.pipeline_mode<synchronous>, transform_indices = @transform_7, window_bounds = array<i64: 1, 1>}, {transform_indices = @transform_8, window_bounds = array<i64: 1, 2048>}]} {
    %get3A = arith.constant 0 : index
    %get3A_0 = arith.constant 0 : index
    %get3A_1 = vector.load %arg1[%get3A, %get3A_0] : memref<16x2048xf32, #tpu.memory_space<vmem>>, vector<16x2048xf32>
    %mul3A = arith.mulf %get3A_1, %get3A_1 : vector<16x2048xf32>
    %reduce_sum3A = arith.constant dense<0.000000e+00> : vector<2048xf32>
    %reduce_sum3A_2 = vector.multi_reduction <add>, %mul3A, %reduce_sum3A [0] : vector<16x2048xf32> to vector<2048xf32>
    %broadcast_in_dim3A = vector.shape_cast %reduce_sum3A_2 : vector<2048xf32> to vector<1x2048xf32>
    %get3A_3 = arith.constant 0 : index
    %get3A_4 = arith.constant 0 : index
    %get3A_5 = vector.load %arg3[%get3A_3, %get3A_4] : memref<128x16xf32, #tpu.memory_space<vmem>>, vector<128x16xf32>
    %dot_general3A = arith.constant dense<0.000000e+00> : vector<128x2048xf32>
    %dot_general3A_6 = tpu.matmul %get3A_5, %get3A_1, %dot_general3A {dimension_numbers = #tpu.dot_dimension_numbers<[1], [0], [0], [1], [0, 0, 1, 1], [], []>, transpose_lhs_hint = false} : vector<128x16xf32>, vector<16x2048xf32>, vector<128x2048xf32> -> vector<128x2048xf32>
    %get3A_7 = arith.constant 0 : index
    %get3A_8 = arith.constant 0 : index
    %get3A_9 = vector.load %arg4[%get3A_7, %get3A_8] : memref<128x1xf32, #tpu.memory_space<vmem>>, vector<128x1xf32>
    %add3A = vector.broadcast %get3A_9 : vector<128x1xf32> to vector<128x2048xf32>
    %add3A_10 = arith.addf %dot_general3A_6, %add3A : vector<128x2048xf32>
    %max3A = arith.constant 0.000000e+00 : f32
    %max3A_11 = vector.broadcast %max3A : f32 to vector<128x2048xf32>
    %max3A_12 = arith.maximumf %add3A_10, %max3A_11 : vector<128x2048xf32>
    %get3A_13 = arith.constant 0 : index
    %get3A_14 = arith.constant 0 : index
    %get3A_15 = vector.load %arg5[%get3A_13, %get3A_14] : memref<128x128xf32, #tpu.memory_space<vmem>>, vector<128x128xf32>
    %dot_general3A_16 = arith.constant dense<0.000000e+00> : vector<128x2048xf32>
    %dot_general3A_17 = tpu.matmul %get3A_15, %max3A_12, %dot_general3A_16 {dimension_numbers = #tpu.dot_dimension_numbers<[1], [0], [0], [1], [0, 0, 1, 1], [], []>, transpose_lhs_hint = false} : vector<128x128xf32>, vector<128x2048xf32>, vector<128x2048xf32> -> vector<128x2048xf32>
    %get3A_18 = arith.constant 0 : index
    %get3A_19 = arith.constant 0 : index
    %get3A_20 = vector.load %arg6[%get3A_18, %get3A_19] : memref<128x1xf32, #tpu.memory_space<vmem>>, vector<128x1xf32>
    %add3A_21 = vector.broadcast %get3A_20 : vector<128x1xf32> to vector<128x2048xf32>
    %add3A_22 = arith.addf %dot_general3A_17, %add3A_21 : vector<128x2048xf32>
    %max3A_23 = arith.constant 0.000000e+00 : f32
    %max3A_24 = vector.broadcast %max3A_23 : f32 to vector<128x2048xf32>
    %max3A_25 = arith.maximumf %add3A_22, %max3A_24 : vector<128x2048xf32>
    %get3A_26 = arith.constant 0 : index
    %get3A_27 = arith.constant 0 : index
    %get3A_28 = vector.load %arg7[%get3A_26, %get3A_27] : memref<1x128xf32, #tpu.memory_space<vmem>>, vector<1x128xf32>
    %dot_general3A_29 = arith.constant dense<0.000000e+00> : vector<1x2048xf32>
    %dot_general3A_30 = tpu.matmul %get3A_28, %max3A_25, %dot_general3A_29 {dimension_numbers = #tpu.dot_dimension_numbers<[1], [0], [0], [1], [0, 0, 1, 1], [], []>, transpose_lhs_hint = false} : vector<1x128xf32>, vector<128x2048xf32>, vector<1x2048xf32> -> vector<1x2048xf32>
    %get3A_31 = arith.constant 0 : index
    %get3A_32 = arith.constant 0 : index
    %get3A_33 = vector.load %arg2[%get3A_31, %get3A_32] : memref<1x2048xf32, #tpu.memory_space<vmem>>, vector<1x2048xf32>
    %add3A_34 = arith.addf %get3A_33, %broadcast_in_dim3A : vector<1x2048xf32>
    %add3A_35 = arith.addf %add3A_34, %dot_general3A_30 : vector<1x2048xf32>
    %get3A_36 = arith.constant 0 : index
    %get3A_37 = arith.constant 0 : index
    %get3A_38 = vector.load %arg8[%get3A_36, %get3A_37] : memref<1x1xf32, #tpu.memory_space<vmem>>, vector<1x1xf32>
    %add3A_39 = vector.broadcast %get3A_38 : vector<1x1xf32> to vector<1x2048xf32>
    %add3A_40 = arith.addf %add3A_35, %add3A_39 : vector<1x2048xf32>
    %neg3A = arith.constant 0.000000e+00 : f32
    %neg3A_41 = vector.broadcast %neg3A : f32 to vector<1x2048xf32>
    %neg3A_42 = arith.subf %neg3A_41, %add3A_40 : vector<1x2048xf32>
    %exp3A = math.exp %neg3A_42 : vector<1x2048xf32>
    %add3A_43 = arith.constant 1.000000e+00 : f32
    %add3A_44 = vector.broadcast %add3A_43 : f32 to vector<1x2048xf32>
    %add3A_45 = arith.addf %add3A_44, %exp3A : vector<1x2048xf32>
    %div3A = arith.constant 1.000000e+00 : f32
    %div3A_46 = vector.broadcast %div3A : f32 to vector<1x2048xf32>
    %div3A_47 = arith.divf %div3A_46, %add3A_45 : vector<1x2048xf32>
    %swap3A = arith.constant 0 : index
    %swap3A_48 = arith.constant 0 : index
    %swap3A_49 = vector.load %arg9[%swap3A, %swap3A_48] : memref<1x2048xf32, #tpu.memory_space<vmem>>, vector<1x2048xf32>
    tpu.vector_store %arg9[%swap3A, %swap3A_48], %div3A_47 {strides = array<i32>} : memref<1x2048xf32, #tpu.memory_space<vmem>>, vector<1x2048xf32>,
    return
  }
  func.func @transform_0(%arg0: i32) -> (i32, i32) {
    %c0_i32 = arith.constant 0 : i32
    %c0_i32_0 = arith.constant 0 : i32
    return %c0_i32, %arg0 : i32, i32
  }
  func.func @transform_1(%arg0: i32) -> (i32, i32) {
    %c0_i32 = arith.constant 0 : i32
    %c0_i32_0 = arith.constant 0 : i32
    return %c0_i32, %arg0 : i32, i32
  }
  func.func @transform_2(%arg0: i32) -> (i32, i32) {
    %c0_i32 = arith.constant 0 : i32
    %c0_i32_0 = arith.constant 0 : i32
    %c0_i32_1 = arith.constant 0 : i32
    return %c0_i32, %c0_i32_0 : i32, i32
  }
  func.func @transform_3(%arg0: i32) -> (i32, i32) {
    %c0_i32 = arith.constant 0 : i32
    %c0_i32_0 = arith.constant 0 : i32
    %c0_i32_1 = arith.constant 0 : i32
    return %c0_i32, %c0_i32_0 : i32, i32
  }
  func.func @transform_4(%arg0: i32) -> (i32, i32) {
    %c0_i32 = arith.constant 0 : i32
    %c0_i32_0 = arith.constant 0 : i32
    %c0_i32_1 = arith.constant 0 : i32
    return %c0_i32, %c0_i32_0 : i32, i32
  }
  func.func @transform_5(%arg0: i32) -> (i32, i32) {
    %c0_i32 = arith.constant 0 : i32
    %c0_i32_0 = arith.constant 0 : i32
    %c0_i32_1 = arith.constant 0 : i32
    return %c0_i32, %c0_i32_0 : i32, i32
  }
  func.func @transform_6(%arg0: i32) -> (i32, i32) {
    %c0_i32 = arith.constant 0 : i32
    %c0_i32_0 = arith.constant 0 : i32
    %c0_i32_1 = arith.constant 0 : i32
    return %c0_i32, %c0_i32_0 : i32, i32
  }
  func.func @transform_7(%arg0: i32) -> (i32, i32) {
    %c0_i32 = arith.constant 0 : i32
    %c0_i32_0 = arith.constant 0 : i32
    %c0_i32_1 = arith.constant 0 : i32
    return %c0_i32, %c0_i32_0 : i32, i32
  }
  func.func @transform_8(%arg0: i32) -> (i32, i32) {
    %c0_i32 = arith.constant 0 : i32
    %c0_i32_0 = arith.constant 0 : i32
    return %c0_i32, %arg0 : i32, i32
  }
}

</mosaic_0001>

<sc_bundles>
// kernel: kernel.4.cloned.1.call-start
scs
__scs_entry_jumppad:
0x0: {  	(pc) =	sbr.rel $0x88, $3  }
0x1: {  	(tag) =	ssettag $0x0;
	lr =	simm.s32 $0x1  }
0x2: {  	[smem:$0x3F90] =	sst lr;
	_ =	strace $0xD0000000  }
0x3: {  	_ = 	snop  }
0x4: {  	_ = 	snop  }
0x5: {  	_ = 	snop  }
0x6: {  	_ = 	snop  }
0x7: {  	_ = 	snop  }
__scs_overlays_trampoline_lowered:
0x8: {  	[smem:$0x3F9F] =	sst s0  }
0x9: {  	[smem:$0x3FA0] =	sst s1  }
0xa: {  	[smem:$0x3FA1] =	sst s2  }
0xb: {  	[smem:$0x3FA2] =	sst s3  }
0xc: {  	[smem:$0x3FA3] =	sst s4  }
0xd: {  	[smem:$0x3FA4] =	sst s5  }
0xe: {  	[smem:$0x3FA5] =	sst s6  }
0xf: {  	[smem:$0x3FA6] =	sst s7  }
0x10: {  	[smem:$0x3FA7] =	sst s8  }
0x11: {  	[smem:$0x3FA8] =	sst s9;
	s0 =	simm.s32 @!p0 $0x0  }
0x12: {  	s1 =	sld [smem:$0x3F8E];
	s0 =	simm.s32 @p0 $0x1  }
0x13: {  	[smem:$0x3FA9] =	sst s0;
	s0 =	simm.s32 @!p1 $0x0  }
0x14: {  	s2 =	sld [smem:$0x3F8D];
	s0 =	simm.s32 @p1 $0x1  }
0x15: {  	[smem:$0x3FAA] =	sst s0;
	s0 =	simm.s32 @!p2 $0x0  }
0x16: {  	s3 =	sld [smem:$0x3FDB];
	s0 =	simm.s32 @p2 $0x1  }
0x17: {  	s4 =	simm.s32 $0x1BF5;
	[smem:$0x3FAC] =	sst s0  }
0x18: {  	s0 =	sld [smem:$0x3F8F];
	_ =	swait.ge [sflag:s4], $0x0  }
0x19: {  	s7 =	sld [smem:$0x3F90]  }
0x1a: {  	s8 =	sadd.s32 $0xFFFFE003, lr  }
0x1b: {  	s9 =	sadd.s32 $0xFFFFFEF7, lr;
	s5 =	simm.s32 $0xFFFFFFFF;
	p2 =	slt.u32 s8, $0xFFFFF086  }
0x1c: {  	p1 =	slt.u32 s9, $0xF7A;
	s5 =	simm.s32 @!p2 $0x0  }
0x1d: {  	s5 =	simm.s32 @p1 $0x1;
	p0 =	seq.s32 s7, s2  }
0x1e: {  	s7 =	smul.u32 @!p0 $0xF7A, s2;
	p2 =	seq.s32 @!p0 s5, $0x0  }
0x1f: {  	s9 =	smul.u32 $0xF7A, s1;
	s8 =	simm.s32 @!p0 $0x1BF5;
	p2 =	por !p2, p0  }
0x20: {  	[sflag:s8] =	ssyncset.s32 @!p0 $0xFFFFF086;
	s6 =	sadd.s32 @!p0 s3, s7;
	s7 =	simm.s32 @!p0 $0x108  }
0x21: {  	s3 =	sadd.s32 s3, s9;
	s6 =	sadd.s32 @!p0 $0x88, s6;
	s7 =	simm.s32 @p2 $0x1082  }
0x22: {  	[simem:s7], [sflag:s8] =	dma.local @!p0 [hbm:s6], $0xF7A  }
0x23: {  	s9 =	sor.u32 $0xD0000000, s2;
	s6 =	simm.s32 $0x108;
	_ =	swait.ge @!p0 [sflag:s8], $0x0  }
0x24: {  	s3 =	sadd.s32 $0x88, s3;
	s6 =	simm.s32 @!p1 $0x1082;
	[sflag:s4] =	ssyncset.s32 $0xFFFFF086  }
0x25: {  	[simem:s6], [sflag:s4] =	dma.local [hbm:s3], $0xF7A  }
0x26: {  	[smem:$0x3F90] =	sst s1;
	(tag) =	ssettag s2;
	_ =	strace s9  }
0x27: {  	s1 =	sld [smem:$0x3FA0]  }
0x28: {  	s2 =	sld [smem:$0x3FA1]  }
0x29: {  	s4 =	sld [smem:$0x3FA3]  }
0x2a: {  	p0 =	seq.s32 s5, $0x0;
	s5 =	sld [smem:$0x3FA4]  }
0x2b: {  	s6 =	sld [smem:$0x3FA5]  }
0x2c: {  	s7 =	sld [smem:$0x3FA6]  }
0x2d: {  	s3 =	simm.s32 $0x108;
	s8 =	sld [smem:$0x3FA7]  }
0x2e: {  	s3 =	simm.s32 @!p0 $0x1082;
	s9 =	sld [smem:$0x3FA8]  }
0x2f: {  	lr =	sadd.s32 s0, s3;
	s0 =	sld [smem:$0x3F9F]  }
0x30: {  	s3 =	sld [smem:$0x3FA2]  }
0x31: {  	[smem:$0x3FAB] =	sst s10  }
0x32: {  	s10 =	sld [smem:$0x3FA9];
	_ =	sdelay $0x3  }
0x33: {  	p0 =	seq.s32 s10, $0x1;
	s10 =	sld [smem:$0x3FAB];
	_ =	sdelay $0x3  }
0x34: {  	[smem:$0x3FAB] =	sst s10  }
0x35: {  	s10 =	sld [smem:$0x3FAA];
	_ =	sdelay $0x3  }
0x36: {  	p1 =	seq.s32 s10, $0x1;
	s10 =	sld [smem:$0x3FAB];
	_ =	sdelay $0x3  }
0x37: {  	[smem:$0x3FAB] =	sst s10  }
0x38: {  	s10 =	sld [smem:$0x3FAC]  }
0x39: {  	_ = 	snop;
	(pc) =	sbr.ind lr, $3  }
0x3a: {  	_ = 	snop  }
0x3b: {  	_ = 	snop  }
0x3c: {  	p2 =	seq.s32 s10, $0x1;
	s10 =	sld [smem:$0x3FAB]  }
0x3d: {  	_ =	shalt  }
0x3e: {  	_ =	shalt  }
0x3f: {  	_ =	shalt  }
0x40: {  	_ =	shalt  }
0x41: {  	_ =	shalt  }
0x42: {  	_ =	shalt  }
0x43: {  	_ =	shalt  }
0x44: {  	_ =	shalt  }
0x45: {  	_ =	shalt  }
0x46: {  	_ =	shalt  }
0x47: {  	_ =	shalt  }
0x48: {  	_ =	shalt  }
0x49: {  	_ =	shalt  }
0x4a: {  	_ =	shalt  }
0x4b: {  	_ =	shalt  }
0x4c: {  	_ =	shalt  }
0x4d: {  	_ =	shalt  }
0x4e: {  	_ =	shalt  }
0x4f: {  	_ =	shalt  }
0x50: {  	_ =	shalt  }
0x51: {  	_ =	shalt  }
0x52: {  	_ =	shalt  }
0x53: {  	_ =	shalt  }
0x54: {  	_ =	shalt  }
0x55: {  	_ =	shalt  }
0x56: {  	_ =	shalt  }
0x57: {  	_ =	shalt  }
0x58: {  	_ =	shalt  }
0x59: {  	_ =	shalt  }
0x5a: {  	_ =	shalt  }
0x5b: {  	_ =	shalt  }
0x5c: {  	_ =	shalt  }
0x5d: {  	_ =	shalt  }
0x5e: {  	_ =	shalt  }
0x5f: {  	_ =	shalt  }
0x60: {  	_ =	shalt  }
0x61: {  	_ =	shalt  }
0x62: {  	_ =	shalt  }
0x63: {  	_ =	shalt  }
0x64: {  	_ =	shalt  }
0x65: {  	_ =	shalt  }
0x66: {  	_ =	shalt  }
0x67: {  	_ =	shalt  }
0x68: {  	_ =	shalt  }
0x69: {  	_ =	shalt  }
0x6a: {  	_ =	shalt  }
0x6b: {  	_ =	shalt  }
0x6c: {  	_ =	shalt  }
0x6d: {  	_ =	shalt  }
0x6e: {  	_ =	shalt  }
0x6f: {  	_ =	shalt  }
0x70: {  	_ =	shalt  }
0x71: {  	_ =	shalt  }
0x72: {  	_ =	shalt  }
0x73: {  	_ =	shalt  }
0x74: {  	_ =	shalt  }
0x75: {  	_ =	shalt  }
0x76: {  	_ =	shalt  }
0x77: {  	_ =	shalt  }
0x78: {  	_ =	shalt  }
0x79: {  	_ =	shalt  }
0x7a: {  	_ =	shalt  }
0x7b: {  	_ =	shalt  }
0x7c: {  	_ =	shalt  }
0x7d: {  	_ =	shalt  }
0x7e: {  	_ =	shalt  }
0x7f: {  	_ =	shalt  }
0x80: {  	_ =	shalt  }
0x81: {  	_ =	shalt  }
0x82: {  	_ =	shalt  }
0x83: {  	_ =	shalt  }
0x84: {  	_ =	shalt  }
0x85: {  	_ =	shalt  }
0x86: {  	_ =	shalt  }
0x87: {  	_ =	shalt  }
.Lfunc_end0:
.L_simem_size_0:
called_computation_lowered:
.L_overlay_start_0:
0x88: {  	s2 =	sld [smem:$0x3FD9]  }
0x89: {  	s3 =	sld [smem:$0x3FFE];
	_ =	sdelay $0x1  }
0x8a: {  	s1 =	srdreg.scid  }
0x8b: {  	s0 =	sand.u32 $0x1, s1  }
0x8c: {  	s17 =	sshll.u32 s0, $0xA;
	s2 =	sadd.s32 s3, s2  }
0x8d: {  	s2 =	sadd.s32 s2, s17  }
0x8e: {  	[smem:$0x3FB7] =	sst s2  }
0x8f: {  	_ = 	snop  }
0x90: {  	s2 =	sld [smem:$0x3FC9]  }
0x91: {  	s18 =	sld [smem:$0x3FD0];
	(tm) =	ssettm $0x1  }
0x92: {  	s4 =	sld [smem:$0x3FFB];
	_ =	sdelay $0x3  }
0x93: {  	_ =	strace s4  }
0x94: {  	s4 =	sld [smem:$0x3FFC];
	_ =	sdelay $0x3  }
0x95: {  	_ =	strace s4  }
0x96: {  	s4 =	sld [smem:$0x3FFD];
	_ =	sdelay $0x3  }
0x97: {  	_ =	strace s4  }
0x98: {  	_ =	strace $0x8FFFFFFF  }
0x99: {  	s19 =	sld [smem:$0x3FDB];
	_ =	sdelay $0x1  }
0x9a: {  	s5 =	simm.s32 $_scs_section_size  }
0x9b: {  	s6 =	simm.s32 $_size__tile_overlayer_lowered;
	s7 =	simm.s32 $_tile_overlayer_lowered  }
0x9c: {  	s22 =	simm.s32 $0x1BFF;
	s21 =	sshll.u32 s7, $0x1;
	s4 =	sadd.s32 s5, s19  }
0x9d: {  	s8 =	simm.s32 $0x0;
	s20 =	sshll.u32 s6, $0x1;
	s6 =	sadd.s32 s21, s4  }
0x9e: {  	[timem:s8], [sflag:s22] =	dma.local [hbm:s6], s20  }
0x9f: {  	_ =	swait.ge [sflag:s22], s20  }
0xa0: {  	s5 =	ssub.s32 $0x0, s20;
	[sflag:s22] =	ssyncset.done $0x0  }
0xa1: {  	[sflag:s22] =	ssyncadd.s32 s5;
	_ =	sdelay $0x1  }
0xa2: {  	s23 =	simm.s32 $0x1B8B  }
0xa3: {  	_ =	swait.ge [sflag:s23], $0x1  }
0xa4: {  	[sflag:s23] =	ssyncset.done $0x0  }
0xa5: {  	s25 =	simm.s32 $0x1B8E;
	s24 =	sld [smem:$0x3FFE];
	[sflag:s23] =	ssyncadd.s32 $0xFFFFFFFF  }
0xa6: {  	s26 =	simm.s32 $execute0_lowered;
	[smem:$0x3FD2] =	sst s25  }
0xa7: {  	s6 =	sshll.u32 s26, $0x1;
	_ =	strace $0x80000046;
	[dreg:$0x1] =	wrdreg $0xFFFFFFFF  }
0xa8: {  	s28 =	simm.s32 $_size_execute0_lowered;
	s4 =	sadd.s32 s4, s6;
	[dreg:$0x0] =	wrdreg $0x0  }
0xa9: {  	s6 =	sshll.u32 s28, $0x1;
	[dreg:$0x2] =	wrdreg s4  }
0xaa: {  	[dreg:$0x3] =	wrdreg s6  }
0xab: {  	[dreg:$0x4] =	wrdreg $0xC0  }
0xac: {  	_ =	task [dreg:s8], $0x5FFFF  }
0xad: {  	[dreg:$0x1] =	wrdreg $0xFFFFFFFF  }
0xae: {  	[dreg:$0x0] =	wrdreg $0x60  }
0xaf: {  	[dreg:$0x2] =	wrdreg s2  }
0xb0: {  	[dreg:$0x3] =	wrdreg s24  }
0xb1: {  	[dreg:$0x4] =	wrdreg s18  }
0xb2: {  	[dreg:$0x5] =	wrdreg $0x9  }
0xb3: {  	_ =	task.clear_ibuf [dreg:s8], $0x6FFFF;
	_ =	strace $0x90000046  }
0xb4: {  	s29 =	simm.s32 $0x9;
	_ =	strace $0x80000048  }
0xb5: {  	_ =	swait.ge [sflag:s29], $0x1  }
0xb6: {  	[sflag:s29] =	ssyncadd.s32 $0xFFFFFFFF  }
0xb7: {  	_ =	strace $0x90000048  }
0xb8: {  	_ =	sfence  }
0xb9: {  	s30 =	sld [smem:$0x0];
	_ =	sdelay $0x2  }
0xba: {  	s31 =	sshll.u32 s1, $0xD;
	s1 =	sshrl.u32 s1, $0x2  }
0xbb: {  	s3 =	sand.u32 $0x4000, s31;
	s1 =	sadd.s32 s1, s30  }
0xbc: {  	s0 =	sor.u32 s3, s0;
	s1 =	sshll.u32 s1, $0x11  }
0xbd: {  	s0 =	sor.u32 s1, s0  }
0xbe: {  	s0 =	sadd.s32 $0x8F2B, s0  }
0xbf: {  	[sflag:s0] =	ssyncadd.remote.s32 $0x1  }
0xc0: {  	_ =	sfence.sel $0xFFFF  }
0xc1: {  	[dreg:$0x0] =	wrdreg $0xFFFFFFFF;
	(pc) =	sbr.abs _section_cstart, $3  }
0xc2: {  	[dreg:$0x1] =	wrdreg $0xFFFFFFFF  }
0xc3: {  	_ =	task.clear_ibuf [dreg:s8], $0x2FFFF;
	_ =	strace $0x9FFFFFFF  }
0xc4: {  	(tm) =	ssettm $0x7FFFFFFF  }
0xc5: {  	_ =	shalt  }
tec
execute0_lowered:
.L_overlay_start_1:
0x0: {  	(tag) =	ssettag $0x1  }
0x1: {  	s5 =	rddreg [dreg:$0x0]  }
0x2: {  	s6 =	rddreg [dreg:$0x1]  }
0x3: {  	s7 =	rddreg [dreg:$0x2]  }
0x4: {  	s0 =	rddreg [dreg:$0x3];
	s1 =	simm.s32 $0x0  }
0x5: {  	s4 =	srdreg.scid;
	s2 =	stileid.u32;
	s11 =	simm.s32 $0x200  }
0x6: {  	s12 =	simm.s32 $0x300;
	s13 =	simm.s32 $0x280;
	s14 =	simm.s32 $0x4300  }
0x7: {  	s15 =	simm.s32 $0x1;
	s16 =	simm.s32 $0x2;
	s17 =	simm.s32 $0x4000  }
0x8: {  	s18 =	simm.s32 $0x4B00;
	s19 =	simm.s32 $0x6B00;
	s20 =	simm.s32 $0x0  }
0x9: {  	[smem:$0x7FF] =	sst s1;
	s3 =	sadd.s32 $0xF44A00, s6;
	s4 =	sand.u32 $0x1, s4  }
0xa: {  	s8 =	sshll.u32 s2, $0x7;
	s9 =	sshll.u32 s4, $0x6;
	s10 =	ssub.s32 $0x2, s4  }
0xb: {  	_ =	strace $0x80000047;
	s8 =	sor.u32 s9, s8;
	s31 =	sshrl.u32 s10, $0x1  }
0xc: {  	s4 =	sadd.s32 $0x2600, s6;
	s6 =	sadd.s32 s8, s6;
	s9 =	ssub.s32 s10, s31  }
0xd: {  	s5 =	sadd.s32 s5, s8;
	s7 =	sadd.s32 s7, s8;
	s10 =	simm.s32 $0x80  }
0xe: {  	v0 =	vlaneseq.u32;
	s6 =	sadd.s32 $0x21000, s6;
	s8 =	smax.u32 s9, $0x1;
	s9 =	simm.s32 $0x3  }
.LBB2_1:
0xf: {  	[tilespmem:s1], [sflag:$0x3] =	stream.linear.gather [hbm4b:s5+s1], $0x200, $0x38;
	[tilespmem:$0x6D00] =	vst v63  }
0x10: {  	_ =	swait.ge [sflag:s9], $0x200  }
0x11: {  	s21 =	simm.s32 $0x5B00;
	s22 =	simm.s32 $0x0;
	[sflag:s9] =	ssyncset.done $0x0  }
0x12: {  	s23 =	simm.s32 $0x6B00;
	s24 =	simm.s32 $0x0;
	[sflag:s9] =	ssyncadd.s32 $0xFFFFFE00  }
.LBB2_2:
0x13: {  	s25 =	sshll.u32 s24, $0x7  }
0x14: {  	v1 =	vld [tilespmem:s25+$0x0];
	_ =	sdelay $0x4  }
0x15: {  	v2 =	vshrl.u32 v1, $0x3  }
0x16: {  	v1 =	vshrl.u32 v1, $0x4;
	[tilespmem:$0x200] =	vst v2  }
0x17: {  	[tilespmem:$0x280] =	vst v1  }
0x18: {  	v1 =	vld [tilespmem:s25+$0x10];
	_ =	sdelay $0x4  }
0x19: {  	v2 =	vshrl.u32 v1, $0x3  }
0x1a: {  	v1 =	vshrl.u32 v1, $0x4;
	[tilespmem:$0x210] =	vst v2  }
0x1b: {  	[tilespmem:$0x290] =	vst v1  }
0x1c: {  	v1 =	vld [tilespmem:s25+$0x20];
	_ =	sdelay $0x4  }
0x1d: {  	v2 =	vshrl.u32 v1, $0x3  }
0x1e: {  	v1 =	vshrl.u32 v1, $0x4;
	[tilespmem:$0x220] =	vst v2  }
0x1f: {  	[tilespmem:$0x2A0] =	vst v1  }
0x20: {  	v1 =	vld [tilespmem:s25+$0x30];
	_ =	sdelay $0x4  }
0x21: {  	v2 =	vshrl.u32 v1, $0x3  }
0x22: {  	v1 =	vshrl.u32 v1, $0x4;
	[tilespmem:$0x230] =	vst v2  }
0x23: {  	[tilespmem:$0x2B0] =	vst v1  }
0x24: {  	v1 =	vld [tilespmem:s25+$0x40];
	_ =	sdelay $0x4  }
0x25: {  	v2 =	vshrl.u32 v1, $0x3  }
0x26: {  	v1 =	vshrl.u32 v1, $0x4;
	[tilespmem:$0x240] =	vst v2  }
0x27: {  	[tilespmem:$0x2C0] =	vst v1  }
0x28: {  	v1 =	vld [tilespmem:s25+$0x50];
	_ =	sdelay $0x4  }
0x29: {  	v2 =	vshrl.u32 v1, $0x3  }
0x2a: {  	v1 =	vshrl.u32 v1, $0x4;
	[tilespmem:$0x250] =	vst v2  }
0x2b: {  	[tilespmem:$0x2D0] =	vst v1  }
0x2c: {  	v1 =	vld [tilespmem:s25+$0x60];
	_ =	sdelay $0x4  }
0x2d: {  	v2 =	vshrl.u32 v1, $0x3  }
0x2e: {  	v1 =	vshrl.u32 v1, $0x4;
	[tilespmem:$0x260] =	vst v2  }
0x2f: {  	[tilespmem:$0x2E0] =	vst v1  }
0x30: {  	v1 =	vld [tilespmem:s25+$0x70];
	_ =	sdelay $0x4  }
0x31: {  	v2 =	vshrl.u32 v1, $0x3  }
0x32: {  	v1 =	vshrl.u32 v1, $0x4;
	[tilespmem:$0x270] =	vst v2  }
0x33: {  	[tilespmem:$0x2F0] =	vst v1  }
0x34: {  	[tilespmem:s12], [sflag:$0x1] =	stream.indirect.gather [hbm4b:s3+s10], $0x80, s11, s10, $0xb8;
	[tilespmem:$0x6D00] =	vst v63  }
0x35: {  	_ = 	snop  }
0x36: {  	[tilespmem:s14], [sflag:$0x2] =	stream.indirect.gather [hbm4b:s4+s10], $0x10, s13, s10, $0xb8;
	[tilespmem:$0x6D00] =	vst v63  }
0x37: {  	_ =	swait.ge [sflag:s15], $0x4000  }
0x38: {  	[sflag:s15] =	ssyncset.done $0x0  }
0x39: {  	[sflag:s15] =	ssyncadd.s32 $0xFFFFC000  }
0x3a: {  	_ =	swait.ge [sflag:s16], $0x800  }
0x3b: {  	[sflag:s16] =	ssyncset.done $0x0  }
0x3c: {  	[sflag:s16] =	ssyncadd.s32 $0xFFFFF800  }
0x3d: {  	v1 =	vld [tilespmem:s22+$0x0];
	_ =	sdelay $0x3  }
0x3e: {  	s31 =	simm.s32 $0x0  }
0x3f: {  	v2 =	vor.u32 s31, v0;
	v3 =	vshll.u32 v1, $0x4  }
0x40: {  	v4 =	vshll.u32 v2, $0x7;
	v3 =	vand.u32 $0x70, v3  }
0x41: {  	v3 =	vor.u32 v4, v3;
	_ =	sdelay $0x4  }
0x42: {  	v4 =	vld.idx.msk [tilespmem:v3+s12+$0x0], $0xffff  }
0x43: {  	v5 =	vor.u32 $0x1, v3;
	_ =	sdelay $0x3  }
0x44: {  	[tilespmem:s21+$0xFFFFF000] =	vst v4  }
0x45: {  	v4 =	vld.idx.msk [tilespmem:v5+s12+$0x0], $0xffff  }
0x46: {  	v51 =	vor.u32 $0x2, v3;
	_ =	sdelay $0x3  }
0x47: {  	[tilespmem:s21+$0xFFFFF200] =	vst v4  }
0x48: {  	v4 =	vld.idx.msk [tilespmem:v51+s12+$0x0], $0xffff  }
0x49: {  	v52 =	vor.u32 $0x3, v3;
	_ =	sdelay $0x3  }
0x4a: {  	[tilespmem:s21+$0xFFFFF400] =	vst v4  }
0x4b: {  	v4 =	vld.idx.msk [tilespmem:v52+s12+$0x0], $0xffff  }
0x4c: {  	v53 =	vor.u32 $0x4, v3;
	_ =	sdelay $0x3  }
0x4d: {  	[tilespmem:s21+$0xFFFFF600] =	vst v4  }
0x4e: {  	v4 =	vld.idx.msk [tilespmem:v53+s12+$0x0], $0xffff  }
0x4f: {  	v54 =	vor.u32 $0x5, v3;
	_ =	sdelay $0x3  }
0x50: {  	[tilespmem:s21+$0xFFFFF800] =	vst v4  }
0x51: {  	v4 =	vld.idx.msk [tilespmem:v54+s12+$0x0], $0xffff  }
0x52: {  	v55 =	vor.u32 $0x6, v3;
	_ =	sdelay $0x3  }
0x53: {  	[tilespmem:s21+$0xFFFFFA00] =	vst v4  }
0x54: {  	v4 =	vld.idx.msk [tilespmem:v55+s12+$0x0], $0xffff  }
0x55: {  	v56 =	vor.u32 $0x7, v3;
	_ =	sdelay $0x3  }
0x56: {  	[tilespmem:s21+$0xFFFFFC00] =	vst v4  }
0x57: {  	v4 =	vld.idx.msk [tilespmem:v56+s12+$0x0], $0xffff  }
0x58: {  	v57 =	vor.u32 $0x8, v3;
	_ =	sdelay $0x3  }
0x59: {  	[tilespmem:s21+$0xFFFFFE00] =	vst v4  }
0x5a: {  	v4 =	vld.idx.msk [tilespmem:v57+s12+$0x0], $0xffff  }
0x5b: {  	v58 =	vor.u32 $0x9, v3;
	_ =	sdelay $0x3  }
0x5c: {  	[tilespmem:s21+$0x0] =	vst v4  }
0x5d: {  	v4 =	vld.idx.msk [tilespmem:v58+s12+$0x0], $0xffff  }
0x5e: {  	v59 =	vor.u32 $0xA, v3;
	_ =	sdelay $0x3  }
0x5f: {  	[tilespmem:s21+$0x200] =	vst v4  }
0x60: {  	v4 =	vld.idx.msk [tilespmem:v59+s12+$0x0], $0xffff  }
0x61: {  	v60 =	vor.u32 $0xB, v3;
	_ =	sdelay $0x3  }
0x62: {  	[tilespmem:s21+$0x400] =	vst v4  }
0x63: {  	v4 =	vld.idx.msk [tilespmem:v60+s12+$0x0], $0xffff  }
0x64: {  	v61 =	vor.u32 $0xC, v3;
	_ =	sdelay $0x3  }
0x65: {  	[tilespmem:s21+$0x600] =	vst v4  }
0x66: {  	v4 =	vld.idx.msk [tilespmem:v61+s12+$0x0], $0xffff  }
0x67: {  	v62 =	vor.u32 $0xD, v3;
	_ =	sdelay $0x3  }
0x68: {  	[tilespmem:s21+$0x800] =	vst v4  }
0x69: {  	v4 =	vld.idx.msk [tilespmem:v62+s12+$0x0], $0xffff  }
0x6a: {  	v63 =	vor.u32 $0xE, v3;
	_ =	sdelay $0x3  }
0x6b: {  	[tilespmem:s21+$0xA00] =	vst v4  }
0x6c: {  	v4 =	vld.idx.msk [tilespmem:v63+s12+$0x0], $0xffff  }
0x6d: {  	v3 =	vor.u32 $0xF, v3;
	_ =	sdelay $0x3  }
0x6e: {  	[tilespmem:s21+$0xC00] =	vst v4  }
0x6f: {  	v2 =	vshll.u32 v2, $0x4;
	v1 =	vand.u32 $0xF, v1;
	v3 =	vld.idx.msk [tilespmem:v3+s12+$0x0], $0xffff  }
0x70: {  	v1 =	vor.u32 v2, v1;
	_ =	sdelay $0x3  }
0x71: {  	s26 =	simm.s32 $0x10;
	[tilespmem:s21+$0xE00] =	vst v3  }
0x72: {  	s28 =	smov.u32 s22;
	s29 =	smov.u32 s21;
	s25 =	smov.u32 s23;
	v1 =	vld.idx.msk [tilespmem:v1+s14+$0x0], $0xffff  }
.LBB2_3:
0x73: {  	_ =	sdelay $0x3  }
0x74: {  	s28 =	sadd.s32 $0x10, s28;
	s29 =	sadd.s32 $0x10, s29;
	[tilespmem:s25+$0x0] =	vst v1;
	s25 =	sadd.s32 $0x10, s25  }
0x75: {  	p0 =	sne.s32 s26, $0x70;
	s30 =	smov.u32 s26;
	s26 =	sadd.s32 $0x10, s26;
	v1 =	vld [tilespmem:s28+$0x0]  }
0x76: {  	_ =	sdelay $0x3  }
0x77: {  	v2 =	vor.u32 s30, v0;
	v3 =	vshll.u32 v1, $0x4  }
0x78: {  	v4 =	vshll.u32 v2, $0x7;
	v2 =	vshll.u32 v2, $0x4;
	v3 =	vand.u32 $0x70, v3  }
0x79: {  	v3 =	vor.u32 v4, v3;
	_ =	sdelay $0x4  }
0x7a: {  	v4 =	vld.idx.msk [tilespmem:v3+s12+$0x0], $0xffff;
	_ =	sdelay $0x1  }
0x7b: {  	v5 =	vor.u32 $0x1, v3;
	_ =	sdelay $0x3  }
0x7c: {  	[tilespmem:s29+$0xFFFFF000] =	vst v4  }
0x7d: {  	v4 =	vld.idx.msk [tilespmem:v5+s12+$0x0], $0xffff;
	_ =	sdelay $0x1  }
0x7e: {  	v5 =	vor.u32 $0x2, v3;
	_ =	sdelay $0x3  }
0x7f: {  	[tilespmem:s29+$0xFFFFF200] =	vst v4  }
0x80: {  	v4 =	vld.idx.msk [tilespmem:v5+s12+$0x0], $0xffff;
	_ =	sdelay $0x1  }
0x81: {  	v5 =	vor.u32 $0x3, v3;
	_ =	sdelay $0x3  }
0x82: {  	[tilespmem:s29+$0xFFFFF400] =	vst v4  }
0x83: {  	v4 =	vld.idx.msk [tilespmem:v5+s12+$0x0], $0xffff;
	_ =	sdelay $0x1  }
0x84: {  	v5 =	vor.u32 $0x4, v3;
	_ =	sdelay $0x3  }
0x85: {  	[tilespmem:s29+$0xFFFFF600] =	vst v4  }
0x86: {  	v4 =	vld.idx.msk [tilespmem:v5+s12+$0x0], $0xffff;
	_ =	sdelay $0x1  }
0x87: {  	v5 =	vor.u32 $0x5, v3;
	_ =	sdelay $0x3  }
0x88: {  	[tilespmem:s29+$0xFFFFF800] =	vst v4  }
0x89: {  	v4 =	vld.idx.msk [tilespmem:v5+s12+$0x0], $0xffff;
	_ =	sdelay $0x1  }
0x8a: {  	v5 =	vor.u32 $0x6, v3;
	_ =	sdelay $0x3  }
0x8b: {  	[tilespmem:s29+$0xFFFFFA00] =	vst v4  }
0x8c: {  	v4 =	vld.idx.msk [tilespmem:v5+s12+$0x0], $0xffff;
	_ =	sdelay $0x1  }
0x8d: {  	v5 =	vor.u32 $0x7, v3;
	_ =	sdelay $0x3  }
0x8e: {  	[tilespmem:s29+$0xFFFFFC00] =	vst v4  }
0x8f: {  	v4 =	vld.idx.msk [tilespmem:v5+s12+$0x0], $0xffff;
	_ =	sdelay $0x1  }
0x90: {  	v5 =	vor.u32 $0x8, v3;
	_ =	sdelay $0x3  }
0x91: {  	[tilespmem:s29+$0xFFFFFE00] =	vst v4  }
0x92: {  	v4 =	vld.idx.msk [tilespmem:v5+s12+$0x0], $0xffff;
	_ =	sdelay $0x1  }
0x93: {  	v5 =	vor.u32 $0x9, v3;
	_ =	sdelay $0x3  }
0x94: {  	[tilespmem:s29+$0x0] =	vst v4  }
0x95: {  	v4 =	vld.idx.msk [tilespmem:v5+s12+$0x0], $0xffff;
	_ =	sdelay $0x1  }
0x96: {  	v5 =	vor.u32 $0xA, v3;
	_ =	sdelay $0x3  }
0x97: {  	[tilespmem:s29+$0x200] =	vst v4  }
0x98: {  	v4 =	vld.idx.msk [tilespmem:v5+s12+$0x0], $0xffff;
	_ =	sdelay $0x1  }
0x99: {  	v5 =	vor.u32 $0xB, v3;
	_ =	sdelay $0x3  }
0x9a: {  	[tilespmem:s29+$0x400] =	vst v4  }
0x9b: {  	v4 =	vld.idx.msk [tilespmem:v5+s12+$0x0], $0xffff;
	_ =	sdelay $0x1  }
0x9c: {  	v5 =	vor.u32 $0xC, v3;
	_ =	sdelay $0x3  }
0x9d: {  	[tilespmem:s29+$0x600] =	vst v4  }
0x9e: {  	v4 =	vld.idx.msk [tilespmem:v5+s12+$0x0], $0xffff;
	_ =	sdelay $0x1  }
0x9f: {  	v5 =	vor.u32 $0xD, v3;
	_ =	sdelay $0x3  }
0xa0: {  	[tilespmem:s29+$0x800] =	vst v4  }
0xa1: {  	v4 =	vld.idx.msk [tilespmem:v5+s12+$0x0], $0xffff;
	_ =	sdelay $0x1  }
0xa2: {  	v5 =	vor.u32 $0xE, v3;
	_ =	sdelay $0x3  }
0xa3: {  	[tilespmem:s29+$0xA00] =	vst v4  }
0xa4: {  	v4 =	vld.idx.msk [tilespmem:v5+s12+$0x0], $0xffff;
	_ =	sdelay $0x1  }
0xa5: {  	v3 =	vor.u32 $0xF, v3;
	_ =	sdelay $0x3  }
0xa6: {  	[tilespmem:s29+$0xC00] =	vst v4  }
0xa7: {  	v3 =	vld.idx.msk [tilespmem:v3+s12+$0x0], $0xffff  }
0xa8: {  	v1 =	vand.u32 $0xF, v1  }
0xa9: {  	v1 =	vor.u32 v2, v1  }
.Ltmp0:
0xaa: {  	(pc) =	sbr.rel @p0 .LBB2_3-.Ltmp0, $3  }
0xab: {  	_ =	sdelay $0x1  }
0xac: {  	[tilespmem:s29+$0xE00] =	vst v3  }
0xad: {  	v1 =	vld.idx.msk [tilespmem:v1+s14+$0x0], $0xffff  }
0xae: {  	s24 =	sadd.s32 $0x1, s24  }
0xaf: {  	p0 =	sne.s32 s24, $0x4  }
.Ltmp1:
0xb0: {  	_ = 	snop;
	(pc) =	sbr.rel @p0 .LBB2_2-.Ltmp1, $2  }
0xb1: {  	_ =	sdelay $0x2  }
0xb2: {  	s23 =	sadd.s32 $0x80, s23;
	s22 =	sadd.s32 $0x80, s22;
	s21 =	sadd.s32 $0x80, s21;
	[tilespmem:s25+$0x0] =	vst v1  }
0xb3: {  	[hbm4b:s6+s11] =	stream.strided.scatter [tilespmem:s18], [sflag:$0x3], $0x2000, s17, s11, $0x38;
	[tilespmem:$0x6D00] =	vst v63  }
0xb4: {  	s20 =	sadd.s32 $0x1, s20;
	_ =	swait.ge [sflag:s9], $0x2000  }
0xb5: {  	p0 =	sne.s32 s20, s8;
	[sflag:s9] =	ssyncset.done $0x0  }
.Ltmp2:
0xb6: {  	[sflag:s9] =	ssyncadd.s32 $0xFFFFE000;
	(pc) =	sbr.rel @p0 .LBB2_1-.Ltmp2, $4  }
0xb7: {  	[hbm4b:s7+s1] =	stream.linear.scatter [tilespmem:s19], [sflag:$0x3], $0x200, $0x38;
	[tilespmem:$0x6D00] =	vst v63  }
0xb8: {  	_ =	swait.ge [sflag:s9], $0x200  }
0xb9: {  	[sflag:s9] =	ssyncset.done $0x0  }
0xba: {  	[sflag:s9] =	ssyncadd.s32 $0xFFFFFE00  }
0xbb: {  	_ =	sfence.sel $0x180000  }
0xbc: {  	[bflag:$0x0] =	sbarrier.arrive $0xFFFF  }
0xbd: {  	p0 =	sne.s32 s2, $0x0;
	_ =	strace $0x90000047  }
0xbe: {  	s0 =	sadd.s32 @!p0 $0x100000, s0;
	[bflag:$0x2] =	sbarrier.arrive $0xFFFF  }
0xbf: {  	[sflag:s0] =	ssyncadd.tile.s32 @!p0 $0x1;
	_ =	shalt  }
.Lfunc_end2:
_tile_overlayer_lowered:
.L_overlay_start_2:
0xc0: {  	(tag) =	ssettag $0x2  }
0xc1: {  	s0 =	rddreg [dreg:$0x0];
	s2 =	stileid.u32  }
0xc2: {  	s1 =	rddreg [dreg:$0x1];
	p0 =	sne.s32 s2, $0x0  }
0xc3: {  	s3 =	rddreg [dreg:$0x2];
	[bflag:$0x3] =	sbarrier.arrive $0xFFFF;
	s2 =	simm.s32 @!p0 $0x1C03  }
0xc4: {  	[timem:s3], [sflag:s2] =	dma.local @!p0 [hbm:s0], s1  }
0xc5: {  	s0 =	simm.s32 @!p0 $0x3  }
0xc6: {  	_ =	swait.ge @!p0 [sflag:s0], s1  }
0xc7: {  	s1 =	ssub.s32 @!p0 $0x0, s1;
	[sflag:s0] =	ssyncset.done @!p0 $0x0  }
0xc8: {  	[sflag:s0] =	ssyncadd.s32 @!p0 s1  }
0xc9: {  	[bflag:$0x3] =	sbarrier.arrive $0xFFFF  }
0xca: {  	_ =	shalt  }

</sc_bundles>
